<compile_context>
chip_gen: v7x
topology: tpu7x:2x2x1
jax: 0.10.2.dev20260603
libtpu: 0.0.44.dev20260713+nightly
codegen_flags: <defaults>
</compile_context>

<pallas_src>
import functools

import jax
import jax.numpy as jnp
from jax import lax
from jax.experimental import pallas as pl
from jax.experimental.pallas import tpu as pltpu
from jax.experimental.pallas import tpu_sc as plsc

N_NODES = 10000
D_FEAT = 128

_NC = 2
_NS = 16
_NW = _NC * _NS
_C = 128
_RPT = 640
_R_PAD = _RPT * _NS


def _sc_gather_scatter(x, src, dst, n_chunks):
    mesh = plsc.VectorSubcoreMesh(core_axis_name="c", subcore_axis_name="s")

    @functools.partial(
        pl.kernel,
        out_type=jax.ShapeDtypeStruct((_NC, _R_PAD, D_FEAT), jnp.float32),
        mesh=mesh,
        scratch_types=[
            pltpu.VMEM((_C,), jnp.int32),
            pltpu.VMEM((_C,), jnp.int32),
            pltpu.VMEM((_C, D_FEAT), jnp.float32),
            pltpu.VMEM((16, D_FEAT), jnp.float32),
            pltpu.VMEM_SHARED((_R_PAD, D_FEAT), jnp.float32),
            pltpu.SemaphoreType.DMA,
        ],
    )
    def k(x_hbm, src_hbm, dst_hbm, out_hbm, src_v, dst_v, rows_v, zer_v, acc, sem):
        c = lax.axis_index("c")
        s = lax.axis_index("s")
        wid = c * _NS + s
        epw = n_chunks * _C

        def zinit(i, carry):
            zer_v[i // 8, pl.ds((i % 8) * 16, 16)] = jnp.zeros((16,), jnp.float32)
            return carry

        lax.fori_loop(0, 16 * 8, zinit, 0)

        def zacc(i, carry):
            pltpu.sync_copy(zer_v, acc.at[pl.ds(s * _RPT + i * 16, 16)])
            return carry

        lax.fori_loop(0, _RPT // 16, zacc, 0)
        plsc.subcore_barrier()

        base_w = wid * epw

        def step(g, carry):
            b = base_w + g * _C
            pltpu.sync_copy(src_hbm.at[pl.ds(b, _C)], src_v)
            gather = pltpu.async_copy(x_hbm.at[src_v], rows_v, sem)
            pltpu.sync_copy(dst_hbm.at[pl.ds(b, _C)], dst_v)
            gather.wait()
            pltpu.sync_copy(rows_v, acc.at[dst_v], add=True)
            return carry

        lax.fori_loop(0, n_chunks, step, 0)

        plsc.subcore_barrier()
        pltpu.sync_copy(
            acc.at[pl.ds(s * _RPT, _RPT)],
            out_hbm.at[c, pl.ds(s * _RPT, _RPT)],
        )

    return k(x, src, dst)


def _combine(p0, p1):
    def body(a_ref, b_ref, o_ref):
        o_ref[...] = a_ref[...] + b_ref[...]

    return pl.pallas_call(
        body,
        out_shape=jax.ShapeDtypeStruct((N_NODES, D_FEAT), jnp.float32),
        grid=(10,),
        in_specs=[
            pl.BlockSpec((N_NODES // 10, D_FEAT), lambda i: (i, 0)),
            pl.BlockSpec((N_NODES // 10, D_FEAT), lambda i: (i, 0)),
        ],
        out_specs=pl.BlockSpec((N_NODES // 10, D_FEAT), lambda i: (i, 0)),
    )(p0, p1)


def kernel(x, edge_index):
    n_edges = edge_index.shape[1]
    src = edge_index[0].astype(jnp.int32)
    dst = edge_index[1].astype(jnp.int32)

    chunk = _NW * _C
    n_chunks = -(-n_edges // chunk)
    e_pad = n_chunks * chunk
    pad = e_pad - n_edges
    if pad:
        src = jnp.concatenate([src, jnp.zeros((pad,), jnp.int32)])
        dst = jnp.concatenate([dst, jnp.full((pad,), N_NODES, jnp.int32)])

    partials = _sc_gather_scatter(x, src, dst, n_chunks)
    return _combine(partials[0, :N_NODES], partials[1, :N_NODES])

# --- scband reference (transcript-rebuilt; emitter-appended) ---
"""Pipeline reference for scband-message-passing-7189775253659 (READ-ONLY COPY).

The authoritative reference and input builder live on the scoring server;
editing this copy changes nothing except your own understanding.
"""

import jax, jax.numpy as jnp
import numpy as np

N_NODES = 10000
N_EDGES = 320000
D_FEAT = 128


def setup_inputs(seed: int = 0) -> dict:
    key = jax.random.key(seed)
    k1, k2 = jax.random.split(key)
    x = jax.random.normal(k1, (N_NODES, D_FEAT), dtype=jnp.float32)
    edge_index = jax.random.randint(k2, (2, N_EDGES), 0, N_NODES, dtype=jnp.int64)
    return {"x": x, "edge_index": edge_index}


def reference(x, edge_index):
    # MessagePassing with aggr='sum', flow='source_to_target', node_dim=-2.
    # propagate(edge_index, x=x):
    #   message(x_j) = x_j  (gather source-node features along edges)
    #   aggregate     = scatter-add of messages into destination nodes
    #   update(out)   = out (identity)
    src = edge_index[0]  # j: source nodes (messages flow source -> target)
    dst = edge_index[1]  # i: target nodes
    messages = jnp.take(x, src, axis=0)          # gather: [E, d_feat]
    out = jax.ops.segment_sum(messages, dst, num_segments=x.shape[0])  # scatter-add
    return out

if __name__ == "__main__":
    import jax
    _d = setup_inputs()
    print(jax.jit(kernel)(*tuple(_d.values())))

</pallas_src>

<mosaic_0001>
#map = affine_map<(d0, d1) -> (0, 0)>
#map1 = affine_map<(d0, d1) -> (0)>
#map2 = affine_map<(d0, d1) -> (0, 0, 0)>
module attributes {stable_mosaic.version = 14 : i64} {
  func.func @k(%arg0: i32, %arg1: i32, %arg2: memref<10000x128xf32, #tpu.memory_space<hbm>>, %arg3: memref<323584xi32, #tpu.memory_space<hbm>>, %arg4: memref<323584xi32, #tpu.memory_space<hbm>>, %arg5: memref<2x10240x128xf32, #tpu.memory_space<hbm>>, %arg6: memref<128xi32, #tpu.memory_space<vmem>>, %arg7: memref<128xi32, #tpu.memory_space<vmem>>, %arg8: memref<128x128xf32, #tpu.memory_space<vmem>>, %arg9: memref<16x128xf32, #tpu.memory_space<vmem>>, %arg10: memref<10240x128xf32, #tpu.memory_space<vmem_shared>>, %arg11: memref<!tpu.dma_semaphore, #tpu.memory_space<semaphore_mem>>) attributes {dimension_semantics = [#tpu.dimension_semantics<core_parallel>, #tpu.dimension_semantics<subcore_parallel>], iteration_bounds = array<i64: 2, 16>, scalar_prefetch = 0 : i64, scratch_operands = 6 : i64, tpu.core_type = #tpu.core_type<sc_vector_subcore>, window_params = [{transform_indices = #map}, {transform_indices = #map1}, {transform_indices = #map1}, {transform_indices = #map2}]} {
    %mul3A = arith.constant 16 : i32
    %mul3A_0 = arith.muli %arg0, %mul3A : i32
    %add3A = arith.addi %mul3A_0, %arg1 : i32
    %scan3A = arith.constant 0 : i32
    %scan3A_1 = arith.constant 0 : i32
    %scan3A_2 = arith.constant 128 : i32
    %scan3A_3 = arith.addi %scan3A_1, %scan3A_2 : i32
    %scan3A_4 = arith.constant 1 : i32
    scf.for %scan3A_25 = %scan3A_1 to %scan3A_3 step %scan3A_4  : i32 {
      %broadcast_in_dim3A = arith.constant 0.000000e+00 : f32
      %broadcast_in_dim3A_26 = vector.broadcast %broadcast_in_dim3A : f32 to vector<16xf32>
      %jit3A = arith.constant 8 : i32
      %div3A = arith.divsi %scan3A_25, %jit3A : i32
      %sign3A = arith.constant 0 : i32
      %sign3A_27 = arith.cmpi sgt, %scan3A_25, %sign3A : i32
      %sign3A_28 = arith.extui %sign3A_27 : i1 to i32
      %sign3A_29 = arith.constant 0 : i32
      %sign3A_30 = arith.cmpi slt, %scan3A_25, %sign3A_29 : i32
      %sign3A_31 = arith.extui %sign3A_30 : i1 to i32
      %sign3A_32 = arith.subi %sign3A_28, %sign3A_31 : i32
      %sign3A_33 = arith.constant 0 : i32
      %sign3A_34 = arith.cmpi sgt, %jit3A, %sign3A_33 : i32
      %sign3A_35 = arith.extui %sign3A_34 : i1 to i32
      %sign3A_36 = arith.constant 0 : i32
      %sign3A_37 = arith.cmpi slt, %jit3A, %sign3A_36 : i32
      %sign3A_38 = arith.extui %sign3A_37 : i1 to i32
      %sign3A_39 = arith.subi %sign3A_35, %sign3A_38 : i32
      %ne3A = arith.cmpi ne, %sign3A_32, %sign3A_39 : i32
      %rem3A = arith.remsi %scan3A_25, %jit3A : i32
      %ne3A_40 = arith.constant 0 : i32
      %ne3A_41 = arith.cmpi ne, %rem3A, %ne3A_40 : i32
      %and3A = arith.andi %ne3A, %ne3A_41 : i1
      %sub3A = arith.constant 1 : i32
      %sub3A_42 = arith.subi %div3A, %sub3A : i32
      %select_n3A = arith.select %and3A, %sub3A_42, %div3A : i32
      %jit3A_43 = arith.constant 8 : i32
      %eq3A = arith.constant 0 : i32
      %eq3A_44 = arith.cmpi eq, %jit3A_43, %eq3A : i32
      %jit3A_45 = arith.constant 1 : i32
      %select_n3A_46 = arith.select %eq3A_44, %jit3A_45, %jit3A_43 : i32
      %rem3A_47 = arith.remsi %scan3A_25, %select_n3A_46 : i32
      %ne3A_48 = arith.constant 0 : i32
      %ne3A_49 = arith.cmpi ne, %rem3A_47, %ne3A_48 : i32
      %lt3A = arith.constant 0 : i32
      %lt3A_50 = arith.cmpi slt, %rem3A_47, %lt3A : i32
      %lt3A_51 = arith.constant 0 : i32
      %lt3A_52 = arith.cmpi slt, %select_n3A_46, %lt3A_51 : i32
      %ne3A_53 = arith.xori %lt3A_50, %lt3A_52 : i1
      %and3A_54 = arith.andi %ne3A_53, %ne3A_49 : i1
      %add3A_55 = arith.addi %rem3A_47, %select_n3A_46 : i32
      %select_n3A_56 = arith.select %and3A_54, %add3A_55, %rem3A_47 : i32
      %mul3A_57 = arith.constant 16 : i32
      %mul3A_58 = arith.muli %select_n3A_56, %mul3A_57 : i32
      %swap3A = arith.index_cast %select_n3A : i32 to index
      %swap3A_59 = arith.index_cast %mul3A_58 : i32 to index
      %swap3A_60 = tpu.vector_load %arg9[%swap3A, %swap3A_59] {strides = array<i32>} : memref<16x128xf32, #tpu.memory_space<vmem>>, vector<1x16xf32>,
      %swap3A_61 = vector.shape_cast %swap3A_60 : vector<1x16xf32> to vector<16xf32>
      %swap3A_62 = vector.shape_cast %broadcast_in_dim3A_26 : vector<16xf32> to vector<1x16xf32>
      tpu.vector_store %arg9[%swap3A, %swap3A_59], %swap3A_62 {strides = array<i32>} : memref<16x128xf32, #tpu.memory_space<vmem>>, vector<1x16xf32>,
    }
    %scan3A_5 = arith.constant 128 : i32
    %scan3A_6 = arith.constant 0 : i32
    %scan3A_7 = arith.constant 0 : i32
    %scan3A_8 = arith.constant 40 : i32
    %scan3A_9 = arith.addi %scan3A_7, %scan3A_8 : i32
    %scan3A_10 = arith.constant 1 : i32
    scf.for %scan3A_25 = %scan3A_7 to %scan3A_9 step %scan3A_10  : i32 {
      %mul3A_26 = arith.constant 640 : i32
      %mul3A_27 = arith.muli %arg1, %mul3A_26 : i32
      %mul3A_28 = arith.constant 16 : i32
      %mul3A_29 = arith.muli %scan3A_25, %mul3A_28 : i32
      %add3A_30 = arith.addi %mul3A_27, %mul3A_29 : i32
      "tpu.region"() ({
        %run_scoped3A = tpu.sem_alloc : memref<!tpu.dma_semaphore, #tpu.memory_space<semaphore_mem>>
        %dma_start3A = arith.constant 0 : i32
        %dma_start3A_31 = tpu.memref_slice %arg10[%add3A_30, %dma_start3A] : memref<10240x128xf32, #tpu.memory_space<vmem_shared>> -> memref<16x128xf32, #tpu.memory_space<vmem_shared>>
        %dma_start3A_32 = arith.constant 0 : i32
        %dma_start3A_33 = tpu.memref_slice %arg10[%add3A_30, %dma_start3A_32] : memref<10240x128xf32, #tpu.memory_space<vmem_shared>> -> memref<16x128xf32, #tpu.memory_space<vmem_shared>>
        tpu.enqueue_dma source(%arg9 : memref<16x128xf32, #tpu.memory_space<vmem>>) target(%dma_start3A_33 : memref<16x128xf32, #tpu.memory_space<vmem_shared>>) target_semaphore(%run_scoped3A : memref<!tpu.dma_semaphore, #tpu.memory_space<semaphore_mem>>)
        %dma_wait3A = arith.constant 0 : i32
        %dma_wait3A_34 = tpu.memref_slice %arg10[%add3A_30, %dma_wait3A] : memref<10240x128xf32, #tpu.memory_space<vmem_shared>> -> memref<16x128xf32, #tpu.memory_space<vmem_shared>>
        %dma_wait3A_35 = arith.constant 0 : i32
        %dma_wait3A_36 = tpu.memref_slice %arg10[%add3A_30, %dma_wait3A_35] : memref<10240x128xf32, #tpu.memory_space<vmem_shared>> -> memref<16x128xf32, #tpu.memory_space<vmem_shared>>
        tpu.wait_dma2 semaphore(%run_scoped3A : memref<!tpu.dma_semaphore, #tpu.memory_space<semaphore_mem>>) src(%arg9 : memref<16x128xf32, #tpu.memory_space<vmem>>) dst(%dma_wait3A_36 : memref<16x128xf32, #tpu.memory_space<vmem_shared>>)
        tpu.yield
      }) : () -> ()
    }
    %scan3A_11 = arith.constant 40 : i32
    %barrier3A = arith.constant 0 : index
    tpu.barrier barrier_id(%barrier3A)
    %mul3A_12 = arith.constant 10112 : i32
    %mul3A_13 = arith.muli %add3A, %mul3A_12 : i32
    %scan3A_14 = arith.constant 0 : i32
    %scan3A_15 = arith.constant 0 : i32
    %scan3A_16 = arith.constant 79 : i32
    %scan3A_17 = arith.addi %scan3A_15, %scan3A_16 : i32
    %scan3A_18 = arith.constant 1 : i32
    scf.for %scan3A_25 = %scan3A_15 to %scan3A_17 step %scan3A_18  : i32 {
      %mul3A_26 = arith.constant 128 : i32
      %mul3A_27 = arith.muli %scan3A_25, %mul3A_26 : i32
      %add3A_28 = arith.addi %mul3A_13, %mul3A_27 : i32
      "tpu.region"() ({
        %run_scoped3A = tpu.sem_alloc : memref<!tpu.dma_semaphore, #tpu.memory_space<semaphore_mem>>
        %dma_start3A_33 = tpu.memref_slice %arg3[%add3A_28] : memref<323584xi32, #tpu.memory_space<hbm>> -> memref<128xi32, #tpu.memory_space<hbm>>
        %dma_start3A_34 = tpu.memref_slice %arg3[%add3A_28] : memref<323584xi32, #tpu.memory_space<hbm>> -> memref<128xi32, #tpu.memory_space<hbm>>
        tpu.enqueue_dma source(%dma_start3A_34 : memref<128xi32, #tpu.memory_space<hbm>>) target(%arg6 : memref<128xi32, #tpu.memory_space<vmem>>) target_semaphore(%run_scoped3A : memref<!tpu.dma_semaphore, #tpu.memory_space<semaphore_mem>>)
        %dma_wait3A_35 = tpu.memref_slice %arg3[%add3A_28] : memref<323584xi32, #tpu.memory_space<hbm>> -> memref<128xi32, #tpu.memory_space<hbm>>
        %dma_wait3A_36 = tpu.memref_slice %arg3[%add3A_28] : memref<323584xi32, #tpu.memory_space<hbm>> -> memref<128xi32, #tpu.memory_space<hbm>>
        tpu.wait_dma2 semaphore(%run_scoped3A : memref<!tpu.dma_semaphore, #tpu.memory_space<semaphore_mem>>) src(%dma_wait3A_36 : memref<128xi32, #tpu.memory_space<hbm>>) dst(%arg6 : memref<128xi32, #tpu.memory_space<vmem>>)
        tpu.yield
      }) : () -> ()
      %dma_start3A = arith.constant 0 : i32
      %dma_start3A_29 = arith.constant 0 : i32
      %dma_start3A_30 = tpu.memref_slice %arg2[%dma_start3A, %dma_start3A_29] : memref<10000x128xf32, #tpu.memory_space<hbm>> -> memref<10000x128xf32, #tpu.memory_space<hbm>>
      tpu.enqueue_indirect_dma source(%dma_start3A_30 : memref<10000x128xf32, #tpu.memory_space<hbm>>) target(%arg8 : memref<128x128xf32, #tpu.memory_space<vmem>>) offsets(%arg6 : memref<128xi32, #tpu.memory_space<vmem>>) semaphore(%arg11 : memref<!tpu.dma_semaphore, #tpu.memory_space<semaphore_mem>>)
      "tpu.region"() ({
        %run_scoped3A = tpu.sem_alloc : memref<!tpu.dma_semaphore, #tpu.memory_space<semaphore_mem>>
        %dma_start3A_33 = tpu.memref_slice %arg4[%add3A_28] : memref<323584xi32, #tpu.memory_space<hbm>> -> memref<128xi32, #tpu.memory_space<hbm>>
        %dma_start3A_34 = tpu.memref_slice %arg4[%add3A_28] : memref<323584xi32, #tpu.memory_space<hbm>> -> memref<128xi32, #tpu.memory_space<hbm>>
        tpu.enqueue_dma source(%dma_start3A_34 : memref<128xi32, #tpu.memory_space<hbm>>) target(%arg7 : memref<128xi32, #tpu.memory_space<vmem>>) target_semaphore(%run_scoped3A : memref<!tpu.dma_semaphore, #tpu.memory_space<semaphore_mem>>)
        %dma_wait3A_35 = tpu.memref_slice %arg4[%add3A_28] : memref<323584xi32, #tpu.memory_space<hbm>> -> memref<128xi32, #tpu.memory_space<hbm>>
        %dma_wait3A_36 = tpu.memref_slice %arg4[%add3A_28] : memref<323584xi32, #tpu.memory_space<hbm>> -> memref<128xi32, #tpu.memory_space<hbm>>
        tpu.wait_dma2 semaphore(%run_scoped3A : memref<!tpu.dma_semaphore, #tpu.memory_space<semaphore_mem>>) src(%dma_wait3A_36 : memref<128xi32, #tpu.memory_space<hbm>>) dst(%arg7 : memref<128xi32, #tpu.memory_space<vmem>>)
        tpu.yield
      }) : () -> ()
      %dma_wait3A = arith.constant 0 : i32
      %dma_wait3A_31 = arith.constant 0 : i32
      %dma_wait3A_32 = tpu.memref_slice %arg2[%dma_wait3A, %dma_wait3A_31] : memref<10000x128xf32, #tpu.memory_space<hbm>> -> memref<10000x128xf32, #tpu.memory_space<hbm>>
      tpu.wait_indirect_dma semaphore(%arg11 : memref<!tpu.dma_semaphore, #tpu.memory_space<semaphore_mem>>) src(%dma_wait3A_32 : memref<10000x128xf32, #tpu.memory_space<hbm>>) dst(%arg8 : memref<128x128xf32, #tpu.memory_space<vmem>>)
      "tpu.region"() ({
        %run_scoped3A = tpu.sem_alloc : memref<!tpu.dma_semaphore, #tpu.memory_space<semaphore_mem>>
        %dma_start3A_33 = arith.constant 0 : i32
        %dma_start3A_34 = arith.constant 0 : i32
        %dma_start3A_35 = tpu.memref_slice %arg10[%dma_start3A_33, %dma_start3A_34] : memref<10240x128xf32, #tpu.memory_space<vmem_shared>> -> memref<10240x128xf32, #tpu.memory_space<vmem_shared>>
        tpu.enqueue_indirect_dma source(%arg8 : memref<128x128xf32, #tpu.memory_space<vmem>>) target(%dma_start3A_35 : memref<10240x128xf32, #tpu.memory_space<vmem_shared>>) offsets(%arg7 : memref<128xi32, #tpu.memory_space<vmem>>) semaphore(%run_scoped3A : memref<!tpu.dma_semaphore, #tpu.memory_space<semaphore_mem>>) {add = true}
        %dma_wait3A_36 = arith.constant 0 : i32
        %dma_wait3A_37 = arith.constant 0 : i32
        %dma_wait3A_38 = tpu.memref_slice %arg10[%dma_wait3A_36, %dma_wait3A_37] : memref<10240x128xf32, #tpu.memory_space<vmem_shared>> -> memref<10240x128xf32, #tpu.memory_space<vmem_shared>>
        tpu.wait_indirect_dma semaphore(%run_scoped3A : memref<!tpu.dma_semaphore, #tpu.memory_space<semaphore_mem>>) src(%arg8 : memref<128x128xf32, #tpu.memory_space<vmem>>) dst(%dma_wait3A_38 : memref<10240x128xf32, #tpu.memory_space<vmem_shared>>)
        tpu.yield
      }) : () -> ()
    }
    %scan3A_19 = arith.constant 79 : i32
    %barrier3A_20 = arith.constant 0 : index
    tpu.barrier barrier_id(%barrier3A_20)
    %mul3A_21 = arith.constant 640 : i32
    %mul3A_22 = arith.muli %arg1, %mul3A_21 : i32
    %mul3A_23 = arith.constant 640 : i32
    %mul3A_24 = arith.muli %arg1, %mul3A_23 : i32
    "tpu.region"() ({
      %run_scoped3A = tpu.sem_alloc : memref<!tpu.dma_semaphore, #tpu.memory_space<semaphore_mem>>
      %dma_start3A = arith.constant 0 : i32
      %dma_start3A_25 = tpu.memref_slice %arg5[%arg0, %mul3A_24, %dma_start3A] : memref<2x10240x128xf32, #tpu.memory_space<hbm>> -> memref<1x640x128xf32, #tpu.memory_space<hbm>>
      %dma_start3A_26 = tpu.memref_squeeze %dma_start3A_25 : memref<1x640x128xf32, #tpu.memory_space<hbm>> -> memref<640x128xf32, #tpu.memory_space<hbm>>
      %dma_start3A_27 = arith.constant 0 : i32
      %dma_start3A_28 = tpu.memref_slice %arg10[%mul3A_22, %dma_start3A_27] : memref<10240x128xf32, #tpu.memory_space<vmem_shared>> -> memref<640x128xf32, #tpu.memory_space<vmem_shared>>
      tpu.enqueue_dma source(%dma_start3A_28 : memref<640x128xf32, #tpu.memory_space<vmem_shared>>) target(%dma_start3A_26 : memref<640x128xf32, #tpu.memory_space<hbm>>) target_semaphore(%run_scoped3A : memref<!tpu.dma_semaphore, #tpu.memory_space<semaphore_mem>>)
      %dma_wait3A = arith.constant 0 : i32
      %dma_wait3A_29 = tpu.memref_slice %arg5[%arg0, %mul3A_24, %dma_wait3A] : memref<2x10240x128xf32, #tpu.memory_space<hbm>> -> memref<1x640x128xf32, #tpu.memory_space<hbm>>
      %dma_wait3A_30 = tpu.memref_squeeze %dma_wait3A_29 : memref<1x640x128xf32, #tpu.memory_space<hbm>> -> memref<640x128xf32, #tpu.memory_space<hbm>>
      %dma_wait3A_31 = arith.constant 0 : i32
      %dma_wait3A_32 = tpu.memref_slice %arg10[%mul3A_22, %dma_wait3A_31] : memref<10240x128xf32, #tpu.memory_space<vmem_shared>> -> memref<640x128xf32, #tpu.memory_space<vmem_shared>>
      tpu.wait_dma2 semaphore(%run_scoped3A : memref<!tpu.dma_semaphore, #tpu.memory_space<semaphore_mem>>) src(%dma_wait3A_32 : memref<640x128xf32, #tpu.memory_space<vmem_shared>>) dst(%dma_wait3A_30 : memref<640x128xf32, #tpu.memory_space<hbm>>)
      tpu.yield
    }) : () -> ()
    return
  }
}

module attributes {stable_mosaic.version = 14 : i64} {
  func.func @body(%arg0: i32, %arg1: memref<1000x128xf32, #tpu.memory_space<vmem>>, %arg2: memref<1000x128xf32, #tpu.memory_space<vmem>>, %arg3: memref<1000x128xf32, #tpu.memory_space<vmem>>) attributes {dimension_semantics = [#tpu.dimension_semantics<arbitrary>], iteration_bounds = array<i64: 10>, scalar_prefetch = 0 : i64, scratch_operands = 0 : i64, tpu.core_type = #tpu.core_type<tc>, window_params = [{transform_indices = @transform_0, window_bounds = array<i64: 1000, 128>}, {transform_indices = @transform_1, window_bounds = array<i64: 1000, 128>}, {transform_indices = @transform_2, window_bounds = array<i64: 1000, 128>}]} {
    %get3A = arith.constant 0 : index
    %get3A_0 = arith.constant 0 : index
    %get3A_1 = vector.load %arg1[%get3A, %get3A_0] : memref<1000x128xf32, #tpu.memory_space<vmem>>, vector<1000x128xf32>
    %get3A_2 = arith.constant 0 : index
    %get3A_3 = arith.constant 0 : index
    %get3A_4 = vector.load %arg2[%get3A_2, %get3A_3] : memref<1000x128xf32, #tpu.memory_space<vmem>>, vector<1000x128xf32>
    %add3A = arith.addf %get3A_1, %get3A_4 : vector<1000x128xf32>
    %swap3A = arith.constant 0 : index
    %swap3A_5 = arith.constant 0 : index
    %swap3A_6 = vector.load %arg3[%swap3A, %swap3A_5] : memref<1000x128xf32, #tpu.memory_space<vmem>>, vector<1000x128xf32>
    tpu.vector_store %arg3[%swap3A, %swap3A_5], %add3A {strides = array<i32>} : memref<1000x128xf32, #tpu.memory_space<vmem>>, vector<1000x128xf32>,
    return
  }
  func.func @transform_0(%arg0: i32) -> (i32, i32) {
    %c0_i32 = arith.constant 0 : i32
    %c0_i32_0 = arith.constant 0 : i32
    return %arg0, %c0_i32 : i32, i32
  }
  func.func @transform_1(%arg0: i32) -> (i32, i32) {
    %c0_i32 = arith.constant 0 : i32
    %c0_i32_0 = arith.constant 0 : i32
    return %arg0, %c0_i32 : i32, i32
  }
  func.func @transform_2(%arg0: i32) -> (i32, i32) {
    %c0_i32 = arith.constant 0 : i32
    %c0_i32_0 = arith.constant 0 : i32
    return %arg0, %c0_i32 : i32, i32
  }
}

</mosaic_0001>

<sc_bundles>
// kernel: kernel.4.cloned.1.call-start
scs
__scs_entry_jumppad:
0x0: {  	(pc) =	sbr.rel $0x88, $3  }
0x1: {  	(tag) =	ssettag $0x0;
	lr =	simm.s32 $0x1  }
0x2: {  	[smem:$0x3F9F] =	sst lr;
	_ =	strace $0xD0000000  }
0x3: {  	_ = 	snop  }
0x4: {  	_ = 	snop  }
0x5: {  	_ = 	snop  }
0x6: {  	_ = 	snop  }
0x7: {  	_ = 	snop  }
__scs_overlays_trampoline_lowered:
0x8: {  	[smem:$0x3FAE] =	sst s0  }
0x9: {  	[smem:$0x3FAF] =	sst s1  }
0xa: {  	[smem:$0x3FB0] =	sst s2  }
0xb: {  	[smem:$0x3FB1] =	sst s3  }
0xc: {  	[smem:$0x3FB2] =	sst s4  }
0xd: {  	[smem:$0x3FB3] =	sst s5  }
0xe: {  	[smem:$0x3FB4] =	sst s6  }
0xf: {  	[smem:$0x3FB5] =	sst s7  }
0x10: {  	[smem:$0x3FB6] =	sst s8  }
0x11: {  	[smem:$0x3FB7] =	sst s9;
	s0 =	simm.s32 @!p0 $0x0  }
0x12: {  	s1 =	sld [smem:$0x3F9D];
	s0 =	simm.s32 @p0 $0x1  }
0x13: {  	[smem:$0x3FB8] =	sst s0;
	s0 =	simm.s32 @!p1 $0x0  }
0x14: {  	s2 =	sld [smem:$0x3F9C];
	s0 =	simm.s32 @p1 $0x1  }
0x15: {  	[smem:$0x3FB9] =	sst s0;
	s0 =	simm.s32 @!p2 $0x0  }
0x16: {  	s3 =	sld [smem:$0x3FDB];
	s0 =	simm.s32 @p2 $0x1  }
0x17: {  	s4 =	simm.s32 $0x1BF5;
	[smem:$0x3FBB] =	sst s0  }
0x18: {  	s0 =	sld [smem:$0x3F9E];
	_ =	swait.ge [sflag:s4], $0x0  }
0x19: {  	s7 =	sld [smem:$0x3F9F]  }
0x1a: {  	s8 =	sadd.s32 $0xFFFFE003, lr  }
0x1b: {  	s9 =	sadd.s32 $0xFFFFFEF7, lr;
	s5 =	simm.s32 $0xFFFFFFFF;
	p2 =	slt.u32 s8, $0xFFFFF086  }
0x1c: {  	p1 =	slt.u32 s9, $0xF7A;
	s5 =	simm.s32 @!p2 $0x0  }
0x1d: {  	s5 =	simm.s32 @p1 $0x1;
	p0 =	seq.s32 s7, s2  }
0x1e: {  	s7 =	smul.u32 @!p0 $0xF7A, s2;
	p2 =	seq.s32 @!p0 s5, $0x0  }
0x1f: {  	s9 =	smul.u32 $0xF7A, s1;
	s8 =	simm.s32 @!p0 $0x1BF5;
	p2 =	por !p2, p0  }
0x20: {  	[sflag:s8] =	ssyncset.s32 @!p0 $0xFFFFF086;
	s6 =	sadd.s32 @!p0 s3, s7;
	s7 =	simm.s32 @!p0 $0x108  }
0x21: {  	s3 =	sadd.s32 s3, s9;
	s6 =	sadd.s32 @!p0 $0x88, s6;
	s7 =	simm.s32 @p2 $0x1082  }
0x22: {  	[simem:s7], [sflag:s8] =	dma.local @!p0 [hbm:s6], $0xF7A  }
0x23: {  	s9 =	sor.u32 $0xD0000000, s2;
	s6 =	simm.s32 $0x108;
	_ =	swait.ge @!p0 [sflag:s8], $0x0  }
0x24: {  	s3 =	sadd.s32 $0x88, s3;
	s6 =	simm.s32 @!p1 $0x1082;
	[sflag:s4] =	ssyncset.s32 $0xFFFFF086  }
0x25: {  	[simem:s6], [sflag:s4] =	dma.local [hbm:s3], $0xF7A  }
0x26: {  	[smem:$0x3F9F] =	sst s1;
	(tag) =	ssettag s2;
	_ =	strace s9  }
0x27: {  	s1 =	sld [smem:$0x3FAF]  }
0x28: {  	s2 =	sld [smem:$0x3FB0]  }
0x29: {  	s4 =	sld [smem:$0x3FB2]  }
0x2a: {  	p0 =	seq.s32 s5, $0x0;
	s5 =	sld [smem:$0x3FB3]  }
0x2b: {  	s6 =	sld [smem:$0x3FB4]  }
0x2c: {  	s7 =	sld [smem:$0x3FB5]  }
0x2d: {  	s3 =	simm.s32 $0x108;
	s8 =	sld [smem:$0x3FB6]  }
0x2e: {  	s3 =	simm.s32 @!p0 $0x1082;
	s9 =	sld [smem:$0x3FB7]  }
0x2f: {  	lr =	sadd.s32 s0, s3;
	s0 =	sld [smem:$0x3FAE]  }
0x30: {  	s3 =	sld [smem:$0x3FB1]  }
0x31: {  	[smem:$0x3FBA] =	sst s10  }
0x32: {  	s10 =	sld [smem:$0x3FB8];
	_ =	sdelay $0x3  }
0x33: {  	p0 =	seq.s32 s10, $0x1;
	s10 =	sld [smem:$0x3FBA];
	_ =	sdelay $0x3  }
0x34: {  	[smem:$0x3FBA] =	sst s10  }
0x35: {  	s10 =	sld [smem:$0x3FB9];
	_ =	sdelay $0x3  }
0x36: {  	p1 =	seq.s32 s10, $0x1;
	s10 =	sld [smem:$0x3FBA];
	_ =	sdelay $0x3  }
0x37: {  	[smem:$0x3FBA] =	sst s10  }
0x38: {  	s10 =	sld [smem:$0x3FBB]  }
0x39: {  	_ = 	snop;
	(pc) =	sbr.ind lr, $3  }
0x3a: {  	_ = 	snop  }
0x3b: {  	_ = 	snop  }
0x3c: {  	p2 =	seq.s32 s10, $0x1;
	s10 =	sld [smem:$0x3FBA]  }
0x3d: {  	_ =	shalt  }
0x3e: {  	_ =	shalt  }
0x3f: {  	_ =	shalt  }
0x40: {  	_ =	shalt  }
0x41: {  	_ =	shalt  }
0x42: {  	_ =	shalt  }
0x43: {  	_ =	shalt  }
0x44: {  	_ =	shalt  }
0x45: {  	_ =	shalt  }
0x46: {  	_ =	shalt  }
0x47: {  	_ =	shalt  }
0x48: {  	_ =	shalt  }
0x49: {  	_ =	shalt  }
0x4a: {  	_ =	shalt  }
0x4b: {  	_ =	shalt  }
0x4c: {  	_ =	shalt  }
0x4d: {  	_ =	shalt  }
0x4e: {  	_ =	shalt  }
0x4f: {  	_ =	shalt  }
0x50: {  	_ =	shalt  }
0x51: {  	_ =	shalt  }
0x52: {  	_ =	shalt  }
0x53: {  	_ =	shalt  }
0x54: {  	_ =	shalt  }
0x55: {  	_ =	shalt  }
0x56: {  	_ =	shalt  }
0x57: {  	_ =	shalt  }
0x58: {  	_ =	shalt  }
0x59: {  	_ =	shalt  }
0x5a: {  	_ =	shalt  }
0x5b: {  	_ =	shalt  }
0x5c: {  	_ =	shalt  }
0x5d: {  	_ =	shalt  }
0x5e: {  	_ =	shalt  }
0x5f: {  	_ =	shalt  }
0x60: {  	_ =	shalt  }
0x61: {  	_ =	shalt  }
0x62: {  	_ =	shalt  }
0x63: {  	_ =	shalt  }
0x64: {  	_ =	shalt  }
0x65: {  	_ =	shalt  }
0x66: {  	_ =	shalt  }
0x67: {  	_ =	shalt  }
0x68: {  	_ =	shalt  }
0x69: {  	_ =	shalt  }
0x6a: {  	_ =	shalt  }
0x6b: {  	_ =	shalt  }
0x6c: {  	_ =	shalt  }
0x6d: {  	_ =	shalt  }
0x6e: {  	_ =	shalt  }
0x6f: {  	_ =	shalt  }
0x70: {  	_ =	shalt  }
0x71: {  	_ =	shalt  }
0x72: {  	_ =	shalt  }
0x73: {  	_ =	shalt  }
0x74: {  	_ =	shalt  }
0x75: {  	_ =	shalt  }
0x76: {  	_ =	shalt  }
0x77: {  	_ =	shalt  }
0x78: {  	_ =	shalt  }
0x79: {  	_ =	shalt  }
0x7a: {  	_ =	shalt  }
0x7b: {  	_ =	shalt  }
0x7c: {  	_ =	shalt  }
0x7d: {  	_ =	shalt  }
0x7e: {  	_ =	shalt  }
0x7f: {  	_ =	shalt  }
0x80: {  	_ =	shalt  }
0x81: {  	_ =	shalt  }
0x82: {  	_ =	shalt  }
0x83: {  	_ =	shalt  }
0x84: {  	_ =	shalt  }
0x85: {  	_ =	shalt  }
0x86: {  	_ =	shalt  }
0x87: {  	_ =	shalt  }
.Lfunc_end0:
.L_simem_size_0:
called_computation_lowered:
.L_overlay_start_0:
0x88: {  	s2 =	sld [smem:$0x3FD9]  }
0x89: {  	s3 =	sld [smem:$0x3FFE];
	_ =	sdelay $0x1  }
0x8a: {  	s1 =	srdreg.scid  }
0x8b: {  	s0 =	sand.u32 $0x1, s1  }
0x8c: {  	s17 =	sshll.u32 s0, $0xA;
	s2 =	sadd.s32 s3, s2  }
0x8d: {  	s2 =	sadd.s32 s2, s17  }
0x8e: {  	[smem:$0x3FC6] =	sst s2  }
0x8f: {  	_ = 	snop  }
0x90: {  	s2 =	sld [smem:$0x3FC9]  }
0x91: {  	s18 =	sld [smem:$0x3FD0];
	(tm) =	ssettm $0x1  }
0x92: {  	s4 =	sld [smem:$0x3FFB];
	_ =	sdelay $0x3  }
0x93: {  	_ =	strace s4  }
0x94: {  	s4 =	sld [smem:$0x3FFC];
	_ =	sdelay $0x3  }
0x95: {  	_ =	strace s4  }
0x96: {  	s4 =	sld [smem:$0x3FFD];
	_ =	sdelay $0x3  }
0x97: {  	_ =	strace s4  }
0x98: {  	_ =	strace $0x8FFFFFFF  }
0x99: {  	s19 =	sld [smem:$0x3FDB];
	_ =	sdelay $0x1  }
0x9a: {  	s5 =	simm.s32 $_scs_section_size  }
0x9b: {  	s6 =	simm.s32 $_size__tile_overlayer_lowered;
	s7 =	simm.s32 $_tile_overlayer_lowered  }
0x9c: {  	s22 =	simm.s32 $0x1BFF;
	s21 =	sshll.u32 s7, $0x1;
	s4 =	sadd.s32 s5, s19  }
0x9d: {  	s8 =	simm.s32 $0x0;
	s20 =	sshll.u32 s6, $0x1;
	s6 =	sadd.s32 s21, s4  }
0x9e: {  	[timem:s8], [sflag:s22] =	dma.local [hbm:s6], s20  }
0x9f: {  	_ =	swait.ge [sflag:s22], s20  }
0xa0: {  	s5 =	ssub.s32 $0x0, s20;
	[sflag:s22] =	ssyncset.done $0x0  }
0xa1: {  	[sflag:s22] =	ssyncadd.s32 s5;
	_ =	sdelay $0x1  }
0xa2: {  	s23 =	simm.s32 $0x1B8B  }
0xa3: {  	_ =	swait.ge [sflag:s23], $0x1  }
0xa4: {  	[sflag:s23] =	ssyncset.done $0x0  }
0xa5: {  	s25 =	simm.s32 $0x1B8E;
	s24 =	sld [smem:$0x3FFE];
	[sflag:s23] =	ssyncadd.s32 $0xFFFFFFFF  }
0xa6: {  	s26 =	simm.s32 $execute0_lowered;
	[smem:$0x3FD2] =	sst s25  }
0xa7: {  	s6 =	sshll.u32 s26, $0x1;
	_ =	strace $0x80000046;
	[dreg:$0x1] =	wrdreg $0xFFFFFFFF  }
0xa8: {  	s28 =	simm.s32 $_size_execute0_lowered;
	s4 =	sadd.s32 s4, s6;
	[dreg:$0x0] =	wrdreg $0x0  }
0xa9: {  	s6 =	sshll.u32 s28, $0x1;
	[dreg:$0x2] =	wrdreg s4  }
0xaa: {  	[dreg:$0x3] =	wrdreg s6  }
0xab: {  	[dreg:$0x4] =	wrdreg $0xC0  }
0xac: {  	_ =	task [dreg:s8], $0x5FFFF  }
0xad: {  	[dreg:$0x1] =	wrdreg $0xFFFFFFFF  }
0xae: {  	[dreg:$0x0] =	wrdreg $0x60  }
0xaf: {  	[dreg:$0x2] =	wrdreg s2  }
0xb0: {  	[dreg:$0x3] =	wrdreg s18  }
0xb1: {  	[dreg:$0x4] =	wrdreg s24  }
0xb2: {  	[dreg:$0x5] =	wrdreg $0x49000  }
0xb3: {  	[dreg:$0x6] =	wrdreg $0x9  }
0xb4: {  	_ =	task.clear_ibuf [dreg:s8], $0x7FFFF;
	_ =	strace $0x90000046  }
0xb5: {  	s29 =	simm.s32 $0x9;
	_ =	strace $0x80000048  }
0xb6: {  	_ =	swait.ge [sflag:s29], $0x1  }
0xb7: {  	[sflag:s29] =	ssyncadd.s32 $0xFFFFFFFF  }
0xb8: {  	_ =	strace $0x90000048  }
0xb9: {  	_ =	sfence  }
0xba: {  	s30 =	sld [smem:$0x0];
	_ =	sdelay $0x2  }
0xbb: {  	s31 =	sshll.u32 s1, $0xD;
	s1 =	sshrl.u32 s1, $0x2  }
0xbc: {  	s3 =	sand.u32 $0x4000, s31;
	s1 =	sadd.s32 s1, s30  }
0xbd: {  	s0 =	sor.u32 s3, s0;
	s1 =	sshll.u32 s1, $0x11  }
0xbe: {  	s0 =	sor.u32 s1, s0  }
0xbf: {  	s0 =	sadd.s32 $0x8F2B, s0  }
0xc0: {  	[sflag:s0] =	ssyncadd.remote.s32 $0x1  }
0xc1: {  	_ =	sfence.sel $0xFFFF  }
0xc2: {  	[dreg:$0x0] =	wrdreg $0xFFFFFFFF;
	(pc) =	sbr.abs _section_cstart, $3  }
0xc3: {  	[dreg:$0x1] =	wrdreg $0xFFFFFFFF  }
0xc4: {  	_ =	task.clear_ibuf [dreg:s8], $0x2FFFF;
	_ =	strace $0x9FFFFFFF  }
0xc5: {  	(tm) =	ssettm $0x7FFFFFFF  }
tec
execute0_lowered:
.L_overlay_start_1:
0x0: {  	(tag) =	ssettag $0x1  }
0x1: {  	s1 =	rddreg [dreg:$0x0]  }
0x2: {  	s7 =	rddreg [dreg:$0x1]  }
0x3: {  	s8 =	rddreg [dreg:$0x2]  }
0x4: {  	s0 =	srdreg.scid;
	s3 =	rddreg [dreg:$0x3]  }
0x5: {  	s2 =	rddreg [dreg:$0x4];
	s5 =	sand.u32 $0x1, s0  }
0x6: {  	s0 =	stileid.u32;
	s6 =	smul.u32 $0x140000, s5  }
0x7: {  	s4 =	simm.s32 $0x0;
	s13 =	simm.s32 $0x100;
	s9 =	smul.u32 $0x14000, s0  }
0x8: {  	s14 =	simm.s32 $0x1;
	[smem:$0x7FF] =	sst s4;
	s29 =	smul.u32 $0x50000, s0  }
0x9: {  	s17 =	simm.s32 $0x0;
	_ =	strace $0x80000047;
	s12 =	smul.u32 $0x4F00, s5  }
0xa: {  	s10 =	ssub.s32 $0x2, s5;
	s30 =	smul.u32 $0x4F0, s0;
	s15 =	sshll.u32 s0, $0x6  }
0xb: {  	s11 =	sshrl.u32 s10, $0x1;
	s15 =	sor.u32 $0x1C02, s15;
	s6 =	sadd.s32 s9, s6  }
0xc: {  	s9 =	sshrl.u32 s29, $0x2;
	s10 =	ssub.s32 s10, s11;
	s31 =	sadd.s32 s12, s7  }
0xd: {  	s11 =	simm.s32 $0x2;
	s6 =	sshrl.u32 s6, $0x3;
	s5 =	sadd.s32 s9, s3  }
0xe: {  	s7 =	smax.u32 s10, $0x1;
	s9 =	sadd.s32 s30, s31;
	s10 =	simm.s32 $0x4100  }
0xf: {  	s6 =	sadd.s32 s6, s8;
	s8 =	sadd.s32 s12, s8;
	s12 =	simm.s32 $0x80  }
0x10: {  	v0 =	vimm.f32 $0.0e+00;
	s16 =	sshrl.u32 s5, $0x3;
	s6 =	sadd.s32 $0x9E00, s6;
	s8 =	sadd.s32 s30, s8  }
.LBB2_1:
0x11: {  	s18 =	simm.s32 $0x0;
	s19 =	simm.s32 $0x0  }
.LBB2_2:
0x12: {  	p0 =	sne.s32 s19, $0x1FC0  }
.Ltmp0:
0x13: {  	_ = 	snop;
	(pc) =	sbr.rel @p0 .LBB2_2-.Ltmp0, $4  }
0x14: {  	s20 =	sand.u32 $0x1E00, s19  }
0x15: {  	s21 =	sand.u32 $0x70, s18;
	s20 =	sshrl.u32 s20, $0x2  }
0x16: {  	s20 =	sor.u32 s21, s20  }
0x17: {  	s18 =	sadd.s32 $0x10, s18;
	s19 =	sadd.s32 $0x40, s19;
	[tilespmem:s20+$0x4100] =	vst v0  }
0x18: {  	s18 =	sadd.s32 $0x0, s5  }
0x19: {  	[spmem:s18] =	stream.linear.scatter [tilespmem:s10], [sflag:$0x2], $0x800, $0x38;
	[tilespmem:$0x18900] =	vst v63  }
0x1a: {  	s18 =	simm.s32 $0x2000;
	_ =	swait.ge [sflag:s11], $0x800  }
.LBB2_4:
0x1b: {  	s19 =	sshra.s32 s18, $0x2;
	[sflag:s11] =	ssyncset.done $0x0;
	p0 =	sne.s32 s18, $0x4E000  }
.Ltmp1:
0x1c: {  	s19 =	sadd.s32 s19, s5;
	[sflag:s11] =	ssyncadd.s32 $0xFFFFF800;
	(pc) =	sbr.rel @p0 .LBB2_4-.Ltmp1, $3  }
0x1d: {  	[spmem:s19] =	stream.linear.scatter [tilespmem:s10], [sflag:$0x2], $0x800, $0x38;
	[tilespmem:$0x18900] =	vst v63  }
0x1e: {  	s18 =	sadd.s32 $0x2000, s18;
	_ =	sdelay $0x1  }
0x1f: {  	_ =	swait.ge [sflag:s11], $0x800  }
0x20: {  	[sflag:s11] =	ssyncset.done $0x0  }
0x21: {  	[sflag:s11] =	ssyncadd.s32 $0xFFFFF800  }
0x22: {  	s18 =	sadd.s32 $0x0, s9;
	[bflag:$0x0] =	sbarrier.arrive $0xFFFF  }
0x23: {  	[tilespmem:s4], [sflag:$0x2] =	stream.linear.gather [hbm4b:s18+s4], $0x80, $0x38;
	[tilespmem:$0x18900] =	vst v63  }
0x24: {  	_ =	swait.ge [sflag:s11], $0x80  }
0x25: {  	[sflag:s11] =	ssyncset.done $0x0  }
0x26: {  	[sflag:s11] =	ssyncadd.s32 $0xFFFFFF80  }
0x27: {  	[tilespmem:s13], [sflag:$0x1] =	stream.indirect.gather [hbm4b:s1+s12], $0x80, s4, s12, $0xb8;
	[tilespmem:$0x18900] =	vst v63  }
0x28: {  	s31 =	sadd.s32 $0x0, s8  }
0x29: {  	[tilespmem:s12], [sflag:$0x2] =	stream.linear.gather [hbm4b:s31+s4], $0x80, $0x38;
	[tilespmem:$0x18900] =	vst v63  }
0x2a: {  	_ =	swait.ge [sflag:s11], $0x80  }
0x2b: {  	[sflag:s11] =	ssyncset.done $0x0  }
0x2c: {  	[sflag:s11] =	ssyncadd.s32 $0xFFFFFF80  }
0x2d: {  	_ =	swait.ge [sflag:s14], $0x4000  }
0x2e: {  	[sflag:s14] =	ssyncset.done $0x0  }
0x2f: {  	[sflag:s14] =	ssyncadd.s32 $0xFFFFC000  }
0x30: {  	[spmem:s3] =	stream.indirect.scatter.add.f32 [tilespmem:s13], [sflag:$0x2], $0x80, s12, s12, $0xb8;
	[tilespmem:$0x18900] =	vst v63  }
0x31: {  	_ =	swait.ge [sflag:s11], $0x4000  }
0x32: {  	s19 =	simm.s32 $0x20;
	s18 =	simm.s32 $0x10;
	[sflag:s11] =	ssyncset.done $0x0  }
.LBB2_6:
0x33: {  	s20 =	sadd.s32 s18, s9  }
0x34: {  	[sflag:s11] =	ssyncadd.s32 $0xFFFFC000;
	s21 =	smov.u32 s19;
	s22 =	sadd.s32 $0x10, s19  }
0x35: {  	[tilespmem:s4], [sflag:$0x2] =	stream.linear.gather [hbm4b:s20+s4], $0x80, $0x38;
	[tilespmem:$0x18900] =	vst v63  }
0x36: {  	p0 =	sne.s32 s19, $0x4E0;
	_ =	swait.ge [sflag:s11], $0x80  }
0x37: {  	[sflag:s11] =	ssyncset.done $0x0  }
0x38: {  	[sflag:s11] =	ssyncadd.s32 $0xFFFFFF80  }
0x39: {  	[tilespmem:s13], [sflag:$0x1] =	stream.indirect.gather [hbm4b:s1+s12], $0x80, s4, s12, $0xb8;
	[tilespmem:$0x18900] =	vst v63  }
0x3a: {  	s19 =	sadd.s32 s18, s8;
	s18 =	smov.u32 s21  }
0x3b: {  	[tilespmem:s12], [sflag:$0x2] =	stream.linear.gather [hbm4b:s19+s4], $0x80, $0x38;
	[tilespmem:$0x18900] =	vst v63  }
0x3c: {  	_ =	swait.ge [sflag:s11], $0x80  }
0x3d: {  	[sflag:s11] =	ssyncset.done $0x0  }
0x3e: {  	[sflag:s11] =	ssyncadd.s32 $0xFFFFFF80  }
0x3f: {  	_ =	swait.ge [sflag:s14], $0x4000  }
.Ltmp2:
0x40: {  	[sflag:s14] =	ssyncset.done $0x0;
	(pc) =	sbr.rel @p0 .LBB2_6-.Ltmp2, $4  }
0x41: {  	[sflag:s14] =	ssyncadd.s32 $0xFFFFC000  }
0x42: {  	[spmem:s3] =	stream.indirect.scatter.add.f32 [tilespmem:s13], [sflag:$0x2], $0x80, s12, s12, $0xb8;
	[tilespmem:$0x18900] =	vst v63  }
0x43: {  	_ =	swait.ge [sflag:s11], $0x4000  }
0x44: {  	s19 =	smov.u32 s22;
	[sflag:s11] =	ssyncset.done $0x0  }
0x45: {  	s19 =	sadd.s32 s18, s9;
	[sflag:s11] =	ssyncadd.s32 $0xFFFFC000  }
0x46: {  	[tilespmem:s4], [sflag:$0x2] =	stream.linear.gather [hbm4b:s19+s4], $0x80, $0x38;
	[tilespmem:$0x18900] =	vst v63  }
0x47: {  	_ =	swait.ge [sflag:s11], $0x80  }
0x48: {  	[sflag:s11] =	ssyncset.done $0x0  }
0x49: {  	[sflag:s11] =	ssyncadd.s32 $0xFFFFFF80  }
0x4a: {  	[tilespmem:s13], [sflag:$0x1] =	stream.indirect.gather [hbm4b:s1+s12], $0x80, s4, s12, $0xb8;
	[tilespmem:$0x18900] =	vst v63  }
0x4b: {  	s31 =	sadd.s32 s18, s8  }
0x4c: {  	[tilespmem:s12], [sflag:$0x2] =	stream.linear.gather [hbm4b:s31+s4], $0x80, $0x38;
	[tilespmem:$0x18900] =	vst v63  }
0x4d: {  	_ =	swait.ge [sflag:s11], $0x80  }
0x4e: {  	[sflag:s11] =	ssyncset.done $0x0  }
0x4f: {  	[sflag:s11] =	ssyncadd.s32 $0xFFFFFF80  }
0x50: {  	_ =	swait.ge [sflag:s14], $0x4000  }
0x51: {  	[sflag:s14] =	ssyncset.done $0x0  }
0x52: {  	[sflag:s14] =	ssyncadd.s32 $0xFFFFC000  }
0x53: {  	[spmem:s3] =	stream.indirect.scatter.add.f32 [tilespmem:s13], [sflag:$0x2], $0x80, s12, s12, $0xb8;
	[tilespmem:$0x18900] =	vst v63  }
0x54: {  	_ =	swait.ge [sflag:s11], $0x4000  }
0x55: {  	s17 =	sadd.s32 $0x1, s17;
	[sflag:s11] =	ssyncset.done $0x0  }
0x56: {  	p0 =	sne.s32 s17, s7;
	[sflag:s11] =	ssyncadd.s32 $0xFFFFC000  }
.Ltmp3:
0x57: {  	[bflag:$0x0] =	sbarrier.arrive $0xFFFF;
	(pc) =	sbr.rel @p0 .LBB2_1-.Ltmp3, $4  }
0x58: {  	[hbm:s6], [sflag:s15] =	dma.local [spmem:s16], $0x2800  }
0x59: {  	_ =	swait.ge [sflag:s11], $0x2800  }
0x5a: {  	[sflag:s11] =	ssyncset.done $0x0  }
0x5b: {  	[sflag:s11] =	ssyncadd.s32 $0xFFFFD800  }
0x5c: {  	_ =	sfence.sel $0x180000  }
0x5d: {  	[bflag:$0x0] =	sbarrier.arrive $0xFFFF  }
0x5e: {  	p0 =	sne.s32 s0, $0x0;
	_ =	strace $0x90000047  }
0x5f: {  	s0 =	sadd.s32 @!p0 $0x100000, s2;
	[bflag:$0x2] =	sbarrier.arrive $0xFFFF  }
0x60: {  	[sflag:s0] =	ssyncadd.tile.s32 @!p0 $0x1;
	_ =	shalt  }
.Lfunc_end2:
_tile_overlayer_lowered:
.L_overlay_start_2:
0x61: {  	(tag) =	ssettag $0x2  }
0x62: {  	s0 =	rddreg [dreg:$0x0];
	s2 =	stileid.u32  }
0x63: {  	s1 =	rddreg [dreg:$0x1];
	p0 =	sne.s32 s2, $0x0  }
0x64: {  	s3 =	rddreg [dreg:$0x2];
	[bflag:$0x3] =	sbarrier.arrive $0xFFFF;
	s2 =	simm.s32 @!p0 $0x1C02  }
0x65: {  	[timem:s3], [sflag:s2] =	dma.local @!p0 [hbm:s0], s1  }
0x66: {  	s0 =	simm.s32 @!p0 $0x2  }
0x67: {  	_ =	swait.ge @!p0 [sflag:s0], s1  }
0x68: {  	s1 =	ssub.s32 @!p0 $0x0, s1;
	[sflag:s0] =	ssyncset.done @!p0 $0x0  }
0x69: {  	[sflag:s0] =	ssyncadd.s32 @!p0 s1  }
0x6a: {  	[bflag:$0x3] =	sbarrier.arrive $0xFFFF  }
0x6b: {  	_ =	shalt  }

</sc_bundles>
